<compile_context>
chip_gen: v7x
topology: tpu7x:2x2x1
jax: 0.10.2.dev20260603
libtpu: 0.0.44.dev20260713+nightly
codegen_flags: <defaults>
</compile_context>

<pallas_src>
import jax
import jax.numpy as jnp
from jax import lax
from jax.experimental import pallas as pl
from jax.experimental.pallas import tpu as pltpu
from jax.experimental.pallas import tpu_sc as plsc

N_NODES = 10000
CH = 128
N_EDGES = 320000

NC = 2
NS = 16
NW = NC * NS

N_PAD = 10112
ROWS_PER_TILE = N_PAD // NS

K = 120
EA = N_EDGES // NW
C0 = 96
C1 = 72
NCHUNK_PAD = NS * (C0 + C1)
E_PAD = NCHUNK_PAD * K


def _mesh():
    return plsc.VectorSubcoreMesh(
        core_axis_name="c", subcore_axis_name="s", num_cores=NC, num_subcores=NS
    )



def _deg_body(dst_hbm, out_hbm, dst_v, hist_v):
    cid = lax.axis_index("c")
    sid = lax.axis_index("s")
    wid = cid * NS + sid
    pltpu.sync_copy(dst_hbm.at[pl.ds(wid * EA, EA)], dst_v)
    zeros = jnp.zeros((16,), jnp.float32)

    def zbody(i, c):
        hist_v[pl.ds(i * 16, 16)] = zeros
        return c

    lax.fori_loop(0, N_PAD // 16, zbody, 0)
    ones = jnp.ones((16,), jnp.float32)

    def body(i, c):
        idx = dst_v[pl.ds(i * 16, 16)]
        plsc.addupdate_scatter(hist_v, [idx], ones)
        return c

    lax.fori_loop(0, EA // 16, body, 0)
    pltpu.sync_copy(hist_v, out_hbm.at[wid])


@jax.jit
def _deg_call(dst):
    return pl.kernel(
        _deg_body,
        out_type=jax.ShapeDtypeStruct((NW, N_PAD), jnp.float32),
        mesh=_mesh(),
        scratch_types=[
            pltpu.VMEM((EA,), jnp.int32),
            pltpu.VMEM((N_PAD,), jnp.float32),
        ],
        compiler_params=pltpu.CompilerParams(needs_layout_passes=False),
    )(dst)



def _lin_body(x_ref, w_ref, degp_ref, y_ref):
    deg = jnp.sum(degp_ref[...], axis=0) + 1.0
    dinv = lax.rsqrt(deg)
    xw = jnp.dot(x_ref[...], w_ref[...], preferred_element_type=jnp.float32)
    y_ref[...] = xw * dinv[:, None]


BN = N_PAD


@jax.jit
def _lin_call(x_pad, W, degp):
    return pl.pallas_call(
        _lin_body,
        grid=(N_PAD // BN,),
        in_specs=[
            pl.BlockSpec((BN, CH), lambda i: (i, 0)),
            pl.BlockSpec((CH, CH), lambda i: (0, 0)),
            pl.BlockSpec((NW, BN), lambda i: (0, i)),
        ],
        out_specs=pl.BlockSpec((BN, CH), lambda i: (i, 0)),
        out_shape=jax.ShapeDtypeStruct((N_PAD, CH), jnp.float32),
    )(x_pad, W, degp)



def _agg_body(
    y_hbm, sd_hbm, out_hbm,
    ibuf, rows0, rows1, rows2, acc_sh,
    isem0, isem1, isem2, isem3, isem4, isem5, gsem0, gsem1, gsem2,
):
    cid = lax.axis_index("c")
    sid = lax.axis_index("s")
    my_cpw = jnp.where(cid == 0, C0, C1)
    base = jnp.where(cid == 0, sid * C0, NS * C0 + sid * C1)
    zeros = jnp.zeros((16,), jnp.float32)
    ncol = CH // 16

    def zb(i, c):
        rows0[i // ncol, pl.ds((i % ncol) * 16, 16)] = zeros
        return c

    lax.fori_loop(0, K * ncol, zb, 0)

    tbase = sid * ROWS_PER_TILE

    def zslab(j, c):
        pltpu.sync_copy(rows0, acc_sh.at[pl.ds(tbase + j * K, K)])
        return c

    lax.fori_loop(0, ROWS_PER_TILE // K, zslab, 0)
    ztail = ROWS_PER_TILE - (ROWS_PER_TILE // K) * K
    pltpu.sync_copy(
        rows0.at[pl.ds(0, ztail)],
        acc_sh.at[pl.ds(tbase + (ROWS_PER_TILE // K) * K, ztail)],
    )
    plsc.subcore_barrier()

    rows = (rows0, rows1, rows2)
    isems = (isem0, isem1, isem2, isem3, isem4, isem5)
    gsems = (gsem0, gsem1, gsem2)

    for u in range(6):
        pltpu.async_copy(sd_hbm.at[base + u], ibuf.at[u], isems[u])
    for u in range(3):
        pltpu.make_async_copy(sd_hbm.at[base + u], ibuf.at[u], isems[u]).wait()
        pltpu.async_copy(y_hbm.at[ibuf.at[u, 0]], rows[u], gsems[u])

    def body(i, c):
        for u in range(6):
            q = i * 6 + u
            rb = u % 3
            s3 = (u + 3) % 6
            pltpu.make_async_copy(
                y_hbm.at[ibuf.at[u, 0]], rows[rb], gsems[rb]
            ).wait()
            pltpu.sync_copy(rows[rb], acc_sh.at[ibuf.at[u, 1]], add=True)

            @pl.when(q + 3 < my_cpw)
            def _():
                pltpu.make_async_copy(
                    sd_hbm.at[base + q + 3], ibuf.at[s3], isems[s3]
                ).wait()
                pltpu.async_copy(y_hbm.at[ibuf.at[s3, 0]], rows[rb], gsems[rb])

            @pl.when(q + 6 < my_cpw)
            def _():
                pltpu.async_copy(sd_hbm.at[base + q + 6], ibuf.at[u], isems[u])

        return c

    lax.fori_loop(0, my_cpw // 6, body, 0)

    plsc.subcore_barrier()
    sl = pl.ds(tbase, ROWS_PER_TILE)
    pltpu.sync_copy(acc_sh.at[sl], out_hbm.at[cid].at[sl])


@jax.jit
def _agg_call(y, sd):
    return pl.kernel(
        _agg_body,
        out_type=jax.ShapeDtypeStruct((NC, N_PAD, CH), jnp.float32),
        mesh=_mesh(),
        scratch_types=[
            pltpu.VMEM((6, 2, K), jnp.int32),
            pltpu.VMEM((K, CH), jnp.float32),
            pltpu.VMEM((K, CH), jnp.float32),
            pltpu.VMEM((K, CH), jnp.float32),
            pltpu.VMEM_SHARED((N_PAD, CH), jnp.float32),
            pltpu.SemaphoreType.DMA,
            pltpu.SemaphoreType.DMA,
            pltpu.SemaphoreType.DMA,
            pltpu.SemaphoreType.DMA,
            pltpu.SemaphoreType.DMA,
            pltpu.SemaphoreType.DMA,
            pltpu.SemaphoreType.DMA,
            pltpu.SemaphoreType.DMA,
            pltpu.SemaphoreType.DMA,
        ],
    )(y, sd)



def _fin_body(accp_ref, y_ref, degp_ref, b_ref, o_ref):
    deg = jnp.sum(degp_ref[...], axis=0) + 1.0
    dinv = lax.rsqrt(deg)
    s = accp_ref[0] + accp_ref[1] + y_ref[...]
    o_ref[...] = jnp.maximum(s * dinv[:, None] + b_ref[...], 0.0)


@jax.jit
def _fin_call(accp, y, degp, b2):
    return pl.pallas_call(
        _fin_body,
        grid=(N_PAD // BN,),
        in_specs=[
            pl.BlockSpec((NC, BN, CH), lambda i: (0, i, 0)),
            pl.BlockSpec((BN, CH), lambda i: (i, 0)),
            pl.BlockSpec((NW, BN), lambda i: (0, i)),
            pl.BlockSpec((1, CH), lambda i: (0, 0)),
        ],
        out_specs=pl.BlockSpec((BN, CH), lambda i: (i, 0)),
        out_shape=jax.ShapeDtypeStruct((N_PAD, CH), jnp.float32),
    )(accp, y, degp, b2)



def kernel(x, edge_index, W, b):
    src = edge_index[0].astype(jnp.int32)
    dst = edge_index[1].astype(jnp.int32)
    x_pad = jnp.zeros((N_PAD, CH), jnp.float32).at[:N_NODES].set(x)
    srcp = jnp.full((E_PAD,), N_NODES, jnp.int32).at[:N_EDGES].set(src)
    dstp = jnp.full((E_PAD,), N_NODES, jnp.int32).at[:N_EDGES].set(dst)
    sd = jnp.stack(
        [srcp.reshape(NCHUNK_PAD, K), dstp.reshape(NCHUNK_PAD, K)], axis=1
    )

    degp = _deg_call(dst)
    y = _lin_call(x_pad, W, degp)
    accp = _agg_call(y, sd)
    out = _fin_call(accp, y, degp, b.reshape(1, CH))
    return out[:N_NODES]

# --- scband reference (transcript-rebuilt; emitter-appended) ---
"""Pipeline reference for scband-gcnblock-65481071397425 (READ-ONLY COPY).

The authoritative reference and input builder live on the scoring server;
editing this copy changes nothing except your own understanding.
"""

import jax, jax.numpy as jnp
import numpy as np

N_NODES = 10000
IN_CH = 128
OUT_CH = 128
N_EDGES = 320000


def setup_inputs(seed: int = 0) -> dict:
    key = jax.random.key(seed)
    k1, k2, k3, k4 = jax.random.split(key, 4)
    x = jax.random.normal(k1, (N_NODES, IN_CH), dtype=jnp.float32)
    edge_index = jax.random.randint(k2, (2, N_EDGES), 0, N_NODES, dtype=jnp.int64)
    # GCNConv learned parameters (glorot weight, zero bias like PyG defaults)
    limit = float(np.sqrt(6.0 / (IN_CH + OUT_CH)))
    W = jax.random.uniform(k3, (IN_CH, OUT_CH), dtype=jnp.float32, minval=-limit, maxval=limit)
    b = jnp.zeros((OUT_CH,), dtype=jnp.float32)
    return {"x": x, "edge_index": edge_index, "W": W, "b": b}


def reference(x, edge_index, W, b):
    # Faithful GCNConv (PyG semantics): add self-loops, symmetric normalization,
    # linear transform, scatter-add aggregation, bias, then ReLU (from _GCNBlock).
    N = x.shape[0]
    src = edge_index[0]
    dst = edge_index[1]
    loop = jnp.arange(N, dtype=src.dtype)
    src = jnp.concatenate([src, loop], axis=0)
    dst = jnp.concatenate([dst, loop], axis=0)
    # degree computed on destination nodes with unit edge weights
    deg = jnp.zeros((N,), dtype=jnp.float32).at[dst].add(1.0)
    deg_inv_sqrt = jnp.where(deg > 0, jax.lax.rsqrt(deg), 0.0)
    norm = deg_inv_sqrt[src] * deg_inv_sqrt[dst]
    xw = x @ W
    msgs = xw[src] * norm[:, None]
    out = jnp.zeros((N, W.shape[1]), dtype=jnp.float32).at[dst].add(msgs)
    out = out + b
    return jax.nn.relu(out)

if __name__ == "__main__":
    import jax
    _d = setup_inputs()
    print(jax.jit(kernel)(*tuple(_d.values())))

</pallas_src>

<mosaic_0001>
#map = affine_map<(d0, d1) -> (0)>
#map1 = affine_map<(d0, d1) -> (0, 0)>
module attributes {stable_mosaic.version = 14 : i64} {
  func.func @_deg_body(%arg0: i32, %arg1: i32, %arg2: memref<320000xi32, #tpu.memory_space<hbm>>, %arg3: memref<32x10112xf32, #tpu.memory_space<hbm>>, %arg4: memref<10000xi32, #tpu.memory_space<vmem>>, %arg5: memref<10112xf32, #tpu.memory_space<vmem>>) attributes {dimension_semantics = [#tpu.dimension_semantics<core_parallel>, #tpu.dimension_semantics<subcore_parallel>], iteration_bounds = array<i64: 2, 16>, scalar_prefetch = 0 : i64, scratch_operands = 2 : i64, tpu.core_type = #tpu.core_type<sc_vector_subcore>, window_params = [{transform_indices = #map}, {transform_indices = #map1}]} {
    %mul3A = arith.constant 16 : i32
    %mul3A_0 = arith.muli %arg0, %mul3A : i32
    %add3A = arith.addi %mul3A_0, %arg1 : i32
    %mul3A_1 = arith.constant 10000 : i32
    %mul3A_2 = arith.muli %add3A, %mul3A_1 : i32
    "tpu.region"() ({
      %run_scoped3A = tpu.sem_alloc : memref<!tpu.dma_semaphore, #tpu.memory_space<semaphore_mem>>
      %dma_start3A = tpu.memref_slice %arg2[%mul3A_2] : memref<320000xi32, #tpu.memory_space<hbm>> -> memref<10000xi32, #tpu.memory_space<hbm>>
      %dma_start3A_17 = tpu.memref_slice %arg2[%mul3A_2] : memref<320000xi32, #tpu.memory_space<hbm>> -> memref<10000xi32, #tpu.memory_space<hbm>>
      tpu.enqueue_dma source(%dma_start3A_17 : memref<10000xi32, #tpu.memory_space<hbm>>) target(%arg4 : memref<10000xi32, #tpu.memory_space<vmem>>) target_semaphore(%run_scoped3A : memref<!tpu.dma_semaphore, #tpu.memory_space<semaphore_mem>>)
      %dma_wait3A = tpu.memref_slice %arg2[%mul3A_2] : memref<320000xi32, #tpu.memory_space<hbm>> -> memref<10000xi32, #tpu.memory_space<hbm>>
      %dma_wait3A_18 = tpu.memref_slice %arg2[%mul3A_2] : memref<320000xi32, #tpu.memory_space<hbm>> -> memref<10000xi32, #tpu.memory_space<hbm>>
      tpu.wait_dma2 semaphore(%run_scoped3A : memref<!tpu.dma_semaphore, #tpu.memory_space<semaphore_mem>>) src(%dma_wait3A_18 : memref<10000xi32, #tpu.memory_space<hbm>>) dst(%arg4 : memref<10000xi32, #tpu.memory_space<vmem>>)
      tpu.yield
    }) : () -> ()
    %broadcast_in_dim3A = arith.constant 0.000000e+00 : f32
    %broadcast_in_dim3A_3 = vector.broadcast %broadcast_in_dim3A : f32 to vector<16xf32>
    %scan3A = arith.constant 0 : i32
    %scan3A_4 = arith.constant 0 : i32
    %scan3A_5 = arith.constant 632 : i32
    %scan3A_6 = arith.addi %scan3A_4, %scan3A_5 : i32
    %scan3A_7 = arith.constant 1 : i32
    scf.for %scan3A_17 = %scan3A_4 to %scan3A_6 step %scan3A_7  : i32 {
      %mul3A_18 = arith.constant 16 : i32
      %mul3A_19 = arith.muli %scan3A_17, %mul3A_18 : i32
      %swap3A = arith.index_cast %mul3A_19 : i32 to index
      %swap3A_20 = tpu.vector_load %arg5[%swap3A] {strides = array<i32>} : memref<10112xf32, #tpu.memory_space<vmem>>, vector<16xf32>,
      tpu.vector_store %arg5[%swap3A], %broadcast_in_dim3A_3 {strides = array<i32>} : memref<10112xf32, #tpu.memory_space<vmem>>, vector<16xf32>,
    }
    %scan3A_8 = arith.constant 632 : i32
    %broadcast_in_dim3A_9 = arith.constant 1.000000e+00 : f32
    %broadcast_in_dim3A_10 = vector.broadcast %broadcast_in_dim3A_9 : f32 to vector<16xf32>
    %scan3A_11 = arith.constant 0 : i32
    %scan3A_12 = arith.constant 0 : i32
    %scan3A_13 = arith.constant 625 : i32
    %scan3A_14 = arith.addi %scan3A_12, %scan3A_13 : i32
    %scan3A_15 = arith.constant 1 : i32
    scf.for %scan3A_17 = %scan3A_12 to %scan3A_14 step %scan3A_15  : i32 {
      %mul3A_18 = arith.constant 16 : i32
      %mul3A_19 = arith.muli %scan3A_17, %mul3A_18 : i32
      %get3A = arith.index_cast %mul3A_19 : i32 to index
      %get3A_20 = tpu.vector_load %arg4[%get3A] {strides = array<i32>} : memref<10000xi32, #tpu.memory_space<vmem>>, vector<16xi32>,
      tpu.vector_store_idx %arg5[%get3A_20], %broadcast_in_dim3A_10 {add = true} : memref<10112xf32, #tpu.memory_space<vmem>>[vector<16xi32>], vector<16xf32>,
    }
    %scan3A_16 = arith.constant 625 : i32
    "tpu.region"() ({
      %run_scoped3A = tpu.sem_alloc : memref<!tpu.dma_semaphore, #tpu.memory_space<semaphore_mem>>
      %dma_start3A = arith.constant 0 : i32
      %dma_start3A_17 = tpu.memref_slice %arg3[%add3A, %dma_start3A] : memref<32x10112xf32, #tpu.memory_space<hbm>> -> memref<1x10112xf32, #tpu.memory_space<hbm>>
      %dma_start3A_18 = tpu.memref_squeeze %dma_start3A_17 : memref<1x10112xf32, #tpu.memory_space<hbm>> -> memref<10112xf32, #tpu.memory_space<hbm>>
      %dma_start3A_19 = arith.constant 0 : i32
      %dma_start3A_20 = tpu.memref_slice %arg3[%add3A, %dma_start3A_19] : memref<32x10112xf32, #tpu.memory_space<hbm>> -> memref<1x10112xf32, #tpu.memory_space<hbm>>
      %dma_start3A_21 = tpu.memref_squeeze %dma_start3A_20 : memref<1x10112xf32, #tpu.memory_space<hbm>> -> memref<10112xf32, #tpu.memory_space<hbm>>
      tpu.enqueue_dma source(%arg5 : memref<10112xf32, #tpu.memory_space<vmem>>) target(%dma_start3A_21 : memref<10112xf32, #tpu.memory_space<hbm>>) target_semaphore(%run_scoped3A : memref<!tpu.dma_semaphore, #tpu.memory_space<semaphore_mem>>)
      %dma_wait3A = arith.constant 0 : i32
      %dma_wait3A_22 = tpu.memref_slice %arg3[%add3A, %dma_wait3A] : memref<32x10112xf32, #tpu.memory_space<hbm>> -> memref<1x10112xf32, #tpu.memory_space<hbm>>
      %dma_wait3A_23 = tpu.memref_squeeze %dma_wait3A_22 : memref<1x10112xf32, #tpu.memory_space<hbm>> -> memref<10112xf32, #tpu.memory_space<hbm>>
      %dma_wait3A_24 = arith.constant 0 : i32
      %dma_wait3A_25 = tpu.memref_slice %arg3[%add3A, %dma_wait3A_24] : memref<32x10112xf32, #tpu.memory_space<hbm>> -> memref<1x10112xf32, #tpu.memory_space<hbm>>
      %dma_wait3A_26 = tpu.memref_squeeze %dma_wait3A_25 : memref<1x10112xf32, #tpu.memory_space<hbm>> -> memref<10112xf32, #tpu.memory_space<hbm>>
      tpu.wait_dma2 semaphore(%run_scoped3A : memref<!tpu.dma_semaphore, #tpu.memory_space<semaphore_mem>>) src(%arg5 : memref<10112xf32, #tpu.memory_space<vmem>>) dst(%dma_wait3A_26 : memref<10112xf32, #tpu.memory_space<hbm>>)
      tpu.yield
    }) : () -> ()
    return
  }
}

</mosaic_0001>

<sc_bundles>
// kernel: _deg_call.3.cloned.1.call-start
scs
__scs_entry_jumppad:
0x0: {  	(pc) =	sbr.rel $0x88, $3  }
0x1: {  	(tag) =	ssettag $0x0;
	lr =	simm.s32 $0x1  }
0x2: {  	[smem:$0x3FA0] =	sst lr;
	_ =	strace $0xD0000000  }
0x3: {  	_ = 	snop  }
0x4: {  	_ = 	snop  }
0x5: {  	_ = 	snop  }
0x6: {  	_ = 	snop  }
0x7: {  	_ = 	snop  }
__scs_overlays_trampoline_lowered:
0x8: {  	[smem:$0x3FAF] =	sst s0  }
0x9: {  	[smem:$0x3FB0] =	sst s1  }
0xa: {  	[smem:$0x3FB1] =	sst s2  }
0xb: {  	[smem:$0x3FB2] =	sst s3  }
0xc: {  	[smem:$0x3FB3] =	sst s4  }
0xd: {  	[smem:$0x3FB4] =	sst s5  }
0xe: {  	[smem:$0x3FB5] =	sst s6  }
0xf: {  	[smem:$0x3FB6] =	sst s7  }
0x10: {  	[smem:$0x3FB7] =	sst s8  }
0x11: {  	[smem:$0x3FB8] =	sst s9;
	s0 =	simm.s32 @!p0 $0x0  }
0x12: {  	s1 =	sld [smem:$0x3F9E];
	s0 =	simm.s32 @p0 $0x1  }
0x13: {  	[smem:$0x3FB9] =	sst s0;
	s0 =	simm.s32 @!p1 $0x0  }
0x14: {  	s2 =	sld [smem:$0x3F9D];
	s0 =	simm.s32 @p1 $0x1  }
0x15: {  	[smem:$0x3FBA] =	sst s0;
	s0 =	simm.s32 @!p2 $0x0  }
0x16: {  	s3 =	sld [smem:$0x3FDB];
	s0 =	simm.s32 @p2 $0x1  }
0x17: {  	s4 =	simm.s32 $0x1BF5;
	[smem:$0x3FBC] =	sst s0  }
0x18: {  	s0 =	sld [smem:$0x3F9F];
	_ =	swait.ge [sflag:s4], $0x0  }
0x19: {  	s7 =	sld [smem:$0x3FA0]  }
0x1a: {  	s8 =	sadd.s32 $0xFFFFE003, lr  }
0x1b: {  	s9 =	sadd.s32 $0xFFFFFEF7, lr;
	s5 =	simm.s32 $0xFFFFFFFF;
	p2 =	slt.u32 s8, $0xFFFFF086  }
0x1c: {  	p1 =	slt.u32 s9, $0xF7A;
	s5 =	simm.s32 @!p2 $0x0  }
0x1d: {  	s5 =	simm.s32 @p1 $0x1;
	p0 =	seq.s32 s7, s2  }
0x1e: {  	s7 =	smul.u32 @!p0 $0xF7A, s2;
	p2 =	seq.s32 @!p0 s5, $0x0  }
0x1f: {  	s9 =	smul.u32 $0xF7A, s1;
	s8 =	simm.s32 @!p0 $0x1BF5;
	p2 =	por !p2, p0  }
0x20: {  	[sflag:s8] =	ssyncset.s32 @!p0 $0xFFFFF086;
	s6 =	sadd.s32 @!p0 s3, s7;
	s7 =	simm.s32 @!p0 $0x108  }
0x21: {  	s3 =	sadd.s32 s3, s9;
	s6 =	sadd.s32 @!p0 $0x88, s6;
	s7 =	simm.s32 @p2 $0x1082  }
0x22: {  	[simem:s7], [sflag:s8] =	dma.local @!p0 [hbm:s6], $0xF7A  }
0x23: {  	s9 =	sor.u32 $0xD0000000, s2;
	s6 =	simm.s32 $0x108;
	_ =	swait.ge @!p0 [sflag:s8], $0x0  }
0x24: {  	s3 =	sadd.s32 $0x88, s3;
	s6 =	simm.s32 @!p1 $0x1082;
	[sflag:s4] =	ssyncset.s32 $0xFFFFF086  }
0x25: {  	[simem:s6], [sflag:s4] =	dma.local [hbm:s3], $0xF7A  }
0x26: {  	[smem:$0x3FA0] =	sst s1;
	(tag) =	ssettag s2;
	_ =	strace s9  }
0x27: {  	s1 =	sld [smem:$0x3FB0]  }
0x28: {  	s2 =	sld [smem:$0x3FB1]  }
0x29: {  	s4 =	sld [smem:$0x3FB3]  }
0x2a: {  	p0 =	seq.s32 s5, $0x0;
	s5 =	sld [smem:$0x3FB4]  }
0x2b: {  	s6 =	sld [smem:$0x3FB5]  }
0x2c: {  	s7 =	sld [smem:$0x3FB6]  }
0x2d: {  	s3 =	simm.s32 $0x108;
	s8 =	sld [smem:$0x3FB7]  }
0x2e: {  	s3 =	simm.s32 @!p0 $0x1082;
	s9 =	sld [smem:$0x3FB8]  }
0x2f: {  	lr =	sadd.s32 s0, s3;
	s0 =	sld [smem:$0x3FAF]  }
0x30: {  	s3 =	sld [smem:$0x3FB2]  }
0x31: {  	[smem:$0x3FBB] =	sst s10  }
0x32: {  	s10 =	sld [smem:$0x3FB9];
	_ =	sdelay $0x3  }
0x33: {  	p0 =	seq.s32 s10, $0x1;
	s10 =	sld [smem:$0x3FBB];
	_ =	sdelay $0x3  }
0x34: {  	[smem:$0x3FBB] =	sst s10  }
0x35: {  	s10 =	sld [smem:$0x3FBA];
	_ =	sdelay $0x3  }
0x36: {  	p1 =	seq.s32 s10, $0x1;
	s10 =	sld [smem:$0x3FBB];
	_ =	sdelay $0x3  }
0x37: {  	[smem:$0x3FBB] =	sst s10  }
0x38: {  	s10 =	sld [smem:$0x3FBC]  }
0x39: {  	_ = 	snop;
	(pc) =	sbr.ind lr, $3  }
0x3a: {  	_ = 	snop  }
0x3b: {  	_ = 	snop  }
0x3c: {  	p2 =	seq.s32 s10, $0x1;
	s10 =	sld [smem:$0x3FBB]  }
0x3d: {  	_ =	shalt  }
0x3e: {  	_ =	shalt  }
0x3f: {  	_ =	shalt  }
0x40: {  	_ =	shalt  }
0x41: {  	_ =	shalt  }
0x42: {  	_ =	shalt  }
0x43: {  	_ =	shalt  }
0x44: {  	_ =	shalt  }
0x45: {  	_ =	shalt  }
0x46: {  	_ =	shalt  }
0x47: {  	_ =	shalt  }
0x48: {  	_ =	shalt  }
0x49: {  	_ =	shalt  }
0x4a: {  	_ =	shalt  }
0x4b: {  	_ =	shalt  }
0x4c: {  	_ =	shalt  }
0x4d: {  	_ =	shalt  }
0x4e: {  	_ =	shalt  }
0x4f: {  	_ =	shalt  }
0x50: {  	_ =	shalt  }
0x51: {  	_ =	shalt  }
0x52: {  	_ =	shalt  }
0x53: {  	_ =	shalt  }
0x54: {  	_ =	shalt  }
0x55: {  	_ =	shalt  }
0x56: {  	_ =	shalt  }
0x57: {  	_ =	shalt  }
0x58: {  	_ =	shalt  }
0x59: {  	_ =	shalt  }
0x5a: {  	_ =	shalt  }
0x5b: {  	_ =	shalt  }
0x5c: {  	_ =	shalt  }
0x5d: {  	_ =	shalt  }
0x5e: {  	_ =	shalt  }
0x5f: {  	_ =	shalt  }
0x60: {  	_ =	shalt  }
0x61: {  	_ =	shalt  }
0x62: {  	_ =	shalt  }
0x63: {  	_ =	shalt  }
0x64: {  	_ =	shalt  }
0x65: {  	_ =	shalt  }
0x66: {  	_ =	shalt  }
0x67: {  	_ =	shalt  }
0x68: {  	_ =	shalt  }
0x69: {  	_ =	shalt  }
0x6a: {  	_ =	shalt  }
0x6b: {  	_ =	shalt  }
0x6c: {  	_ =	shalt  }
0x6d: {  	_ =	shalt  }
0x6e: {  	_ =	shalt  }
0x6f: {  	_ =	shalt  }
0x70: {  	_ =	shalt  }
0x71: {  	_ =	shalt  }
0x72: {  	_ =	shalt  }
0x73: {  	_ =	shalt  }
0x74: {  	_ =	shalt  }
0x75: {  	_ =	shalt  }
0x76: {  	_ =	shalt  }
0x77: {  	_ =	shalt  }
0x78: {  	_ =	shalt  }
0x79: {  	_ =	shalt  }
0x7a: {  	_ =	shalt  }
0x7b: {  	_ =	shalt  }
0x7c: {  	_ =	shalt  }
0x7d: {  	_ =	shalt  }
0x7e: {  	_ =	shalt  }
0x7f: {  	_ =	shalt  }
0x80: {  	_ =	shalt  }
0x81: {  	_ =	shalt  }
0x82: {  	_ =	shalt  }
0x83: {  	_ =	shalt  }
0x84: {  	_ =	shalt  }
0x85: {  	_ =	shalt  }
0x86: {  	_ =	shalt  }
0x87: {  	_ =	shalt  }
.Lfunc_end0:
.L_simem_size_0:
called_computation_lowered:
.L_overlay_start_0:
0x88: {  	s2 =	sld [smem:$0x3FD9]  }
0x89: {  	s3 =	sld [smem:$0x3FFE];
	_ =	sdelay $0x1  }
0x8a: {  	s1 =	srdreg.scid  }
0x8b: {  	s0 =	sand.u32 $0x1, s1  }
0x8c: {  	s18 =	sshll.u32 s0, $0xA;
	s2 =	sadd.s32 s3, s2  }
0x8d: {  	s2 =	sadd.s32 s2, s18  }
0x8e: {  	[smem:$0x3FC7] =	sst s2  }
0x8f: {  	_ = 	snop  }
0x90: {  	s2 =	sld [smem:$0x3FC9]  }
0x91: {  	s19 =	sld [smem:$0x3FD0];
	(tm) =	ssettm $0x1  }
0x92: {  	s4 =	sld [smem:$0x3FFB];
	_ =	sdelay $0x3  }
0x93: {  	_ =	strace s4  }
0x94: {  	s4 =	sld [smem:$0x3FFC];
	_ =	sdelay $0x3  }
0x95: {  	_ =	strace s4  }
0x96: {  	s4 =	sld [smem:$0x3FFD];
	_ =	sdelay $0x3  }
0x97: {  	_ =	strace s4  }
0x98: {  	_ =	strace $0x8FFFFFFF  }
0x99: {  	s20 =	sld [smem:$0x3FDB];
	_ =	sdelay $0x1  }
0x9a: {  	s5 =	simm.s32 $_scs_section_size  }
0x9b: {  	s6 =	simm.s32 $_size__tile_overlayer_lowered;
	s7 =	simm.s32 $_tile_overlayer_lowered  }
0x9c: {  	s23 =	simm.s32 $0x1BFF;
	s22 =	sshll.u32 s7, $0x1;
	s4 =	sadd.s32 s5, s20  }
0x9d: {  	s8 =	simm.s32 $0x0;
	s21 =	sshll.u32 s6, $0x1;
	s6 =	sadd.s32 s22, s4  }
0x9e: {  	[timem:s8], [sflag:s23] =	dma.local [hbm:s6], s21  }
0x9f: {  	_ =	swait.ge [sflag:s23], s21  }
0xa0: {  	s5 =	ssub.s32 $0x0, s21;
	[sflag:s23] =	ssyncset.done $0x0  }
0xa1: {  	[sflag:s23] =	ssyncadd.s32 s5;
	_ =	sdelay $0x1  }
0xa2: {  	s24 =	simm.s32 $0x1B8B  }
0xa3: {  	_ =	swait.ge [sflag:s24], $0x1  }
0xa4: {  	[sflag:s24] =	ssyncset.done $0x0  }
0xa5: {  	s25 =	simm.s32 $0x1B8E;
	[sflag:s24] =	ssyncadd.s32 $0xFFFFFFFF  }
0xa6: {  	s26 =	simm.s32 $execute0_lowered;
	[smem:$0x3FD2] =	sst s25  }
0xa7: {  	s5 =	sshll.u32 s26, $0x1;
	_ =	strace $0x80000046;
	[dreg:$0x1] =	wrdreg $0xFFFFFFFF  }
0xa8: {  	s28 =	simm.s32 $_size_execute0_lowered;
	s4 =	sadd.s32 s4, s5;
	[dreg:$0x0] =	wrdreg $0x0  }
0xa9: {  	s5 =	sshll.u32 s28, $0x1;
	[dreg:$0x2] =	wrdreg s4  }
0xaa: {  	[dreg:$0x3] =	wrdreg s5  }
0xab: {  	[dreg:$0x4] =	wrdreg $0xC0  }
0xac: {  	_ =	task [dreg:s8], $0x5FFFF  }
0xad: {  	[dreg:$0x1] =	wrdreg $0xFFFFFFFF  }
0xae: {  	[dreg:$0x0] =	wrdreg $0x60  }
0xaf: {  	[dreg:$0x2] =	wrdreg s2  }
0xb0: {  	[dreg:$0x3] =	wrdreg s19  }
0xb1: {  	[dreg:$0x4] =	wrdreg $0x9  }
0xb2: {  	_ =	task.clear_ibuf [dreg:s8], $0x5FFFF;
	_ =	strace $0x90000046  }
0xb3: {  	s29 =	simm.s32 $0x9;
	_ =	strace $0x80000048  }
0xb4: {  	_ =	swait.ge [sflag:s29], $0x1  }
0xb5: {  	[sflag:s29] =	ssyncadd.s32 $0xFFFFFFFF  }
0xb6: {  	_ =	strace $0x90000048  }
0xb7: {  	_ =	sfence  }
0xb8: {  	s30 =	sld [smem:$0x0];
	_ =	sdelay $0x2  }
0xb9: {  	s31 =	sshll.u32 s1, $0xD;
	s1 =	sshrl.u32 s1, $0x2  }
0xba: {  	s3 =	sand.u32 $0x4000, s31;
	s1 =	sadd.s32 s1, s30  }
0xbb: {  	s0 =	sor.u32 s3, s0;
	s1 =	sshll.u32 s1, $0x11  }
0xbc: {  	s0 =	sor.u32 s1, s0  }
0xbd: {  	s0 =	sadd.s32 $0x8F2B, s0  }
0xbe: {  	[sflag:s0] =	ssyncadd.remote.s32 $0x1  }
0xbf: {  	_ =	sfence.sel $0xFFFF  }
0xc0: {  	[dreg:$0x0] =	wrdreg $0xFFFFFFFF;
	(pc) =	sbr.abs _section_cstart, $3  }
0xc1: {  	[dreg:$0x1] =	wrdreg $0xFFFFFFFF  }
0xc2: {  	_ =	task.clear_ibuf [dreg:s8], $0x2FFFF;
	_ =	strace $0x9FFFFFFF  }
0xc3: {  	(tm) =	ssettm $0x7FFFFFFF  }
tec
execute0_lowered:
.L_overlay_start_1:
0x0: {  	(tag) =	ssettag $0x1  }
0x1: {  	s0 =	srdreg.scid  }
0x2: {  	s3 =	sand.u32 $0x1, s0  }
0x3: {  	s4 =	rddreg [dreg:$0x0];
	s0 =	stileid.u32;
	s1 =	sshll.u32 s3, $0x4  }
0x4: {  	s5 =	rddreg [dreg:$0x1];
	s2 =	simm.s32 $0x0;
	s6 =	sor.u32 s0, s1  }
0x5: {  	s9 =	simm.s32 $0x400;
	s10 =	simm.s32 $0x0;
	s7 =	sshrl.u32 s6, $0x3  }
0x6: {  	[smem:$0x7FF] =	sst s2;
	s8 =	sshll.u32 s0, $0x7;
	s7 =	smul.u32 $0x13C00, s7  }
0x7: {  	s3 =	ssub.s32 $0x2, s3;
	s1 =	rddreg [dreg:$0x2];
	s8 =	sand.u32 $0x380, s8  }
0x8: {  	s31 =	sshrl.u32 s3, $0x1;
	s6 =	smul.u32 $0x4E2, s6;
	s7 =	sor.u32 s8, s7  }
0x9: {  	_ =	strace $0x80000047;
	s8 =	ssub.s32 s3, s31;
	s7 =	sshrl.u32 s7, $0x3  }
0xa: {  	s3 =	sadd.s32 s4, s6;
	s6 =	simm.s32 $0x1;
	s4 =	sadd.s32 s5, s7  }
0xb: {  	v0 =	vimm.f32 $0.0e+00;
	v1 =	vimm.f32 $1.000000000e+00;
	s5 =	smax.u32 s8, $0x1;
	s7 =	simm.s32 $0x2780;
	s8 =	simm.s32 $0x80  }
.LBB2_1:
0xc: {  	[tilespmem:s2], [sflag:$0x1] =	stream.linear.gather [hbm4b:s3+s2], $0x2710, $0x38;
	[tilespmem:$0x4F00] =	vst v63  }
0xd: {  	_ =	swait.ge [sflag:s6], $0x2710  }
0xe: {  	[sflag:s6] =	ssyncset.done $0x0  }
0xf: {  	s11 =	simm.s32 $0x0;
	[sflag:s6] =	ssyncadd.s32 $0xFFFFD8F0  }
.LBB2_2:
0x10: {  	p0 =	sne.s32 s11, $0x9DC0  }
.Ltmp0:
0x11: {  	_ = 	snop;
	(pc) =	sbr.rel @p0 .LBB2_2-.Ltmp0, $3  }
0x12: {  	_ =	sdelay $0x1  }
0x13: {  	s12 =	sshra.s32 s11, $0x2  }
0x14: {  	s11 =	sadd.s32 $0x40, s11;
	[tilespmem:s12+$0x2780] =	vst v0  }
0x15: {  	s12 =	simm.s32 $0x0;
	s11 =	simm.s32 $0x40  }
.LBB2_4:
0x16: {  	p0 =	sne.s32 s11, $0x9C00;
	v2 =	vld [tilespmem:s12+$0x0];
	_ =	sdelay $0x3  }
.Ltmp1:
0x17: {  	(pc) =	sbr.rel @p0 .LBB2_4-.Ltmp1, $2  }
0x18: {  	_ =	sdelay $0x2  }
0x19: {  	s12 =	sshra.s32 s11, $0x2;
	s11 =	sadd.s32 $0x40, s11;
	[tilespmem:v2+s7+$0x0] =	vst.idx.add.f32.msk $0xffff, v1  }
0x1a: {  	v2 =	vld [tilespmem:s12+$0x0];
	_ =	sdelay $0x5  }
0x1b: {  	s10 =	sadd.s32 $0x1, s10  }
0x1c: {  	p0 =	sne.s32 s10, s5  }
.Ltmp2:
0x1d: {  	[tilespmem:v2+s7+$0x0] =	vst.idx.add.f32.msk $0xffff, v1;
	(pc) =	sbr.rel @p0 .LBB2_1-.Ltmp2, $4  }
0x1e: {  	[hbm4b:s4+s8] =	stream.strided.scatter [tilespmem:s7], [sflag:$0x1], $0x2780, s9, s8, $0x38;
	[tilespmem:$0x4F00] =	vst v63  }
0x1f: {  	_ =	swait.ge [sflag:s6], $0x2780  }
0x20: {  	[sflag:s6] =	ssyncset.done $0x0  }
0x21: {  	[sflag:s6] =	ssyncadd.s32 $0xFFFFD880  }
0x22: {  	_ =	sfence.sel $0x180000  }
0x23: {  	[bflag:$0x0] =	sbarrier.arrive $0xFFFF  }
0x24: {  	p0 =	sne.s32 s0, $0x0;
	_ =	strace $0x90000047  }
0x25: {  	s0 =	sadd.s32 @!p0 $0x100000, s1;
	[bflag:$0x2] =	sbarrier.arrive $0xFFFF  }
0x26: {  	[sflag:s0] =	ssyncadd.tile.s32 @!p0 $0x1;
	_ =	shalt  }
.Lfunc_end2:
_tile_overlayer_lowered:
.L_overlay_start_2:
0x27: {  	(tag) =	ssettag $0x2  }
0x28: {  	s0 =	rddreg [dreg:$0x0];
	s2 =	stileid.u32  }
0x29: {  	s1 =	rddreg [dreg:$0x1];
	p0 =	sne.s32 s2, $0x0  }
0x2a: {  	s3 =	rddreg [dreg:$0x2];
	[bflag:$0x3] =	sbarrier.arrive $0xFFFF;
	s2 =	simm.s32 @!p0 $0x1C01  }
0x2b: {  	[timem:s3], [sflag:s2] =	dma.local @!p0 [hbm:s0], s1  }
0x2c: {  	s0 =	simm.s32 @!p0 $0x1  }
0x2d: {  	_ =	swait.ge @!p0 [sflag:s0], s1  }
0x2e: {  	s1 =	ssub.s32 @!p0 $0x0, s1;
	[sflag:s0] =	ssyncset.done @!p0 $0x0  }
0x2f: {  	[sflag:s0] =	ssyncadd.s32 @!p0 s1  }
0x30: {  	[bflag:$0x3] =	sbarrier.arrive $0xFFFF  }
0x31: {  	_ =	shalt  }

</sc_bundles>
